<compile_context>
chip_gen: v7x
topology: tpu7x:2x2x1
jax: 0.10.2.dev20260603
libtpu: 0.0.44.dev20260713+nightly
codegen_flags: <defaults>
</compile_context>

<pallas_src>
import functools

import jax
import jax.numpy as jnp
from jax import lax
from jax.experimental import pallas as pl
from jax.experimental.pallas import tpu as pltpu
from jax.experimental.pallas import tpu_sc as plsc

MAX_SEQ = 8192
D_MODEL = 768
BATCH = 4

NUM_CORES = 2
NUM_SUBCORES = 16
NUM_WORKERS = NUM_CORES * NUM_SUBCORES
S_PER_W = MAX_SEQ // NUM_WORKERS
CHUNK = 128
N_CHUNKS = S_PER_W // CHUNK

_MESH = plsc.VectorSubcoreMesh(core_axis_name="c", subcore_axis_name="s")


@functools.partial(
    pl.kernel,
    mesh=_MESH,
    out_type=jax.ShapeDtypeStruct((BATCH * MAX_SEQ, D_MODEL), jnp.float32),
    scratch_types=[
        pltpu.VMEM((CHUNK,), jnp.int32),
        pltpu.VMEM((CHUNK, D_MODEL), jnp.float32),
        pltpu.SemaphoreType.DMA,
    ],
)
def _pe_lookup_tile(emb_hbm, pe_hbm, out_hbm, idx_v, rows_v, sem):
    wid = lax.axis_index("s") * NUM_CORES + lax.axis_index("c")
    base = wid * S_PER_W
    for i in range(N_CHUNKS):
        off = base + i * CHUNK
        pltpu.sync_copy(pe_hbm.at[pl.ds(off, CHUNK)], idx_v)
        pltpu.async_copy(emb_hbm.at[idx_v], rows_v, sem).wait()
        for b in range(BATCH):
            pltpu.sync_copy(rows_v, out_hbm.at[pl.ds(b * MAX_SEQ + off, CHUNK)])


def kernel(x, emb, pe):
    del x
    pe_flat = pe.reshape(MAX_SEQ).astype(jnp.int32)
    out = _pe_lookup_tile(emb, pe_flat)
    return out.reshape(BATCH, MAX_SEQ, D_MODEL)

# --- scband reference (transcript-rebuilt; emitter-appended) ---
"""Pipeline reference for scband-learned-positional-encoding-59596966199921 (READ-ONLY COPY).

The authoritative reference and input builder live on the scoring server;
editing this copy changes nothing except your own understanding.
"""

import jax, jax.numpy as jnp
import numpy as np

MAX_SEQ = 8192
D_MODEL = 768
BATCH = 4

def setup_inputs(seed: int = 0) -> dict:
    key = jax.random.key(seed)
    k1, k2 = jax.random.split(key)
    x = jax.random.normal(k1, (BATCH, MAX_SEQ, D_MODEL), dtype=jnp.float32)
    # learned positional embedding table (nn.Embedding weight)
    emb = jax.random.normal(k2, (MAX_SEQ, D_MODEL), dtype=jnp.float32)
    # registered buffer pe = arange(max_seq_length).unsqueeze(0)
    pe = jnp.arange(MAX_SEQ, dtype=jnp.int64 if jax.config.jax_enable_x64 else jnp.int32).reshape(1, MAX_SEQ)
    return {"x": x, "emb": emb, "pe": pe}

def reference(x, emb, pe):
    # e = self.embedding(self.pe) -> gather rows of the table
    e = jnp.take(emb, pe, axis=0)  # [1, MAX_SEQ, D_MODEL]
    # torch.tile(e, (x.shape[0], 1, 1))
    return jnp.tile(e, (x.shape[0], 1, 1))

if __name__ == "__main__":
    import jax
    _d = setup_inputs()
    print(jax.jit(kernel)(*tuple(_d.values())))

</pallas_src>

<mosaic_0001>
#map = affine_map<(d0, d1) -> (0, 0)>
#map1 = affine_map<(d0, d1) -> (0)>
module attributes {stable_mosaic.version = 14 : i64} {
  func.func @_pe_lookup_tile(%arg0: i32, %arg1: i32, %arg2: memref<8192x768xf32, #tpu.memory_space<hbm>>, %arg3: memref<8192xi32, #tpu.memory_space<hbm>>, %arg4: memref<32768x768xf32, #tpu.memory_space<hbm>>, %arg5: memref<128xi32, #tpu.memory_space<vmem>>, %arg6: memref<128x768xf32, #tpu.memory_space<vmem>>, %arg7: memref<!tpu.dma_semaphore, #tpu.memory_space<semaphore_mem>>) attributes {dimension_semantics = [#tpu.dimension_semantics<core_parallel>, #tpu.dimension_semantics<subcore_parallel>], iteration_bounds = array<i64: 2, 16>, scalar_prefetch = 0 : i64, scratch_operands = 3 : i64, tpu.core_type = #tpu.core_type<sc_vector_subcore>, window_params = [{transform_indices = #map}, {transform_indices = #map1}, {transform_indices = #map}]} {
    %mul3A = arith.constant 2 : i32
    %mul3A_0 = arith.muli %arg1, %mul3A : i32
    %add3A = arith.addi %mul3A_0, %arg0 : i32
    %mul3A_1 = arith.constant 256 : i32
    %mul3A_2 = arith.muli %add3A, %mul3A_1 : i32
    %add3A_3 = arith.constant 0 : i32
    %add3A_4 = arith.addi %mul3A_2, %add3A_3 : i32
    "tpu.region"() ({
      %run_scoped3A = tpu.sem_alloc : memref<!tpu.dma_semaphore, #tpu.memory_space<semaphore_mem>>
      %dma_start3A_33 = tpu.memref_slice %arg3[%add3A_4] : memref<8192xi32, #tpu.memory_space<hbm>> -> memref<128xi32, #tpu.memory_space<hbm>>
      %dma_start3A_34 = tpu.memref_slice %arg3[%add3A_4] : memref<8192xi32, #tpu.memory_space<hbm>> -> memref<128xi32, #tpu.memory_space<hbm>>
      tpu.enqueue_dma source(%dma_start3A_34 : memref<128xi32, #tpu.memory_space<hbm>>) target(%arg5 : memref<128xi32, #tpu.memory_space<vmem>>) target_semaphore(%run_scoped3A : memref<!tpu.dma_semaphore, #tpu.memory_space<semaphore_mem>>)
      %dma_wait3A_35 = tpu.memref_slice %arg3[%add3A_4] : memref<8192xi32, #tpu.memory_space<hbm>> -> memref<128xi32, #tpu.memory_space<hbm>>
      %dma_wait3A_36 = tpu.memref_slice %arg3[%add3A_4] : memref<8192xi32, #tpu.memory_space<hbm>> -> memref<128xi32, #tpu.memory_space<hbm>>
      tpu.wait_dma2 semaphore(%run_scoped3A : memref<!tpu.dma_semaphore, #tpu.memory_space<semaphore_mem>>) src(%dma_wait3A_36 : memref<128xi32, #tpu.memory_space<hbm>>) dst(%arg5 : memref<128xi32, #tpu.memory_space<vmem>>)
      tpu.yield
    }) : () -> ()
    %dma_start3A = arith.constant 0 : i32
    %dma_start3A_5 = arith.constant 0 : i32
    %dma_start3A_6 = tpu.memref_slice %arg2[%dma_start3A, %dma_start3A_5] : memref<8192x768xf32, #tpu.memory_space<hbm>> -> memref<8192x768xf32, #tpu.memory_space<hbm>>
    tpu.enqueue_indirect_dma source(%dma_start3A_6 : memref<8192x768xf32, #tpu.memory_space<hbm>>) target(%arg6 : memref<128x768xf32, #tpu.memory_space<vmem>>) offsets(%arg5 : memref<128xi32, #tpu.memory_space<vmem>>) semaphore(%arg7 : memref<!tpu.dma_semaphore, #tpu.memory_space<semaphore_mem>>)
    %dma_wait3A = arith.constant 0 : i32
    %dma_wait3A_7 = arith.constant 0 : i32
    %dma_wait3A_8 = tpu.memref_slice %arg2[%dma_wait3A, %dma_wait3A_7] : memref<8192x768xf32, #tpu.memory_space<hbm>> -> memref<8192x768xf32, #tpu.memory_space<hbm>>
    tpu.wait_indirect_dma semaphore(%arg7 : memref<!tpu.dma_semaphore, #tpu.memory_space<semaphore_mem>>) src(%dma_wait3A_8 : memref<8192x768xf32, #tpu.memory_space<hbm>>) dst(%arg6 : memref<128x768xf32, #tpu.memory_space<vmem>>)
    %add3A_9 = arith.constant 0 : i32
    %add3A_10 = arith.addi %add3A_9, %add3A_4 : i32
    "tpu.region"() ({
      %run_scoped3A = tpu.sem_alloc : memref<!tpu.dma_semaphore, #tpu.memory_space<semaphore_mem>>
      %dma_start3A_33 = arith.constant 0 : i32
      %dma_start3A_34 = tpu.memref_slice %arg4[%add3A_10, %dma_start3A_33] : memref<32768x768xf32, #tpu.memory_space<hbm>> -> memref<128x768xf32, #tpu.memory_space<hbm>>
      %dma_start3A_35 = arith.constant 0 : i32
      %dma_start3A_36 = tpu.memref_slice %arg4[%add3A_10, %dma_start3A_35] : memref<32768x768xf32, #tpu.memory_space<hbm>> -> memref<128x768xf32, #tpu.memory_space<hbm>>
      tpu.enqueue_dma source(%arg6 : memref<128x768xf32, #tpu.memory_space<vmem>>) target(%dma_start3A_36 : memref<128x768xf32, #tpu.memory_space<hbm>>) target_semaphore(%run_scoped3A : memref<!tpu.dma_semaphore, #tpu.memory_space<semaphore_mem>>)
      %dma_wait3A_37 = arith.constant 0 : i32
      %dma_wait3A_38 = tpu.memref_slice %arg4[%add3A_10, %dma_wait3A_37] : memref<32768x768xf32, #tpu.memory_space<hbm>> -> memref<128x768xf32, #tpu.memory_space<hbm>>
      %dma_wait3A_39 = arith.constant 0 : i32
      %dma_wait3A_40 = tpu.memref_slice %arg4[%add3A_10, %dma_wait3A_39] : memref<32768x768xf32, #tpu.memory_space<hbm>> -> memref<128x768xf32, #tpu.memory_space<hbm>>
      tpu.wait_dma2 semaphore(%run_scoped3A : memref<!tpu.dma_semaphore, #tpu.memory_space<semaphore_mem>>) src(%arg6 : memref<128x768xf32, #tpu.memory_space<vmem>>) dst(%dma_wait3A_40 : memref<128x768xf32, #tpu.memory_space<hbm>>)
      tpu.yield
    }) : () -> ()
    %add3A_11 = arith.constant 8192 : i32
    %add3A_12 = arith.addi %add3A_11, %add3A_4 : i32
    "tpu.region"() ({
      %run_scoped3A = tpu.sem_alloc : memref<!tpu.dma_semaphore, #tpu.memory_space<semaphore_mem>>
      %dma_start3A_33 = arith.constant 0 : i32
      %dma_start3A_34 = tpu.memref_slice %arg4[%add3A_12, %dma_start3A_33] : memref<32768x768xf32, #tpu.memory_space<hbm>> -> memref<128x768xf32, #tpu.memory_space<hbm>>
      %dma_start3A_35 = arith.constant 0 : i32
      %dma_start3A_36 = tpu.memref_slice %arg4[%add3A_12, %dma_start3A_35] : memref<32768x768xf32, #tpu.memory_space<hbm>> -> memref<128x768xf32, #tpu.memory_space<hbm>>
      tpu.enqueue_dma source(%arg6 : memref<128x768xf32, #tpu.memory_space<vmem>>) target(%dma_start3A_36 : memref<128x768xf32, #tpu.memory_space<hbm>>) target_semaphore(%run_scoped3A : memref<!tpu.dma_semaphore, #tpu.memory_space<semaphore_mem>>)
      %dma_wait3A_37 = arith.constant 0 : i32
      %dma_wait3A_38 = tpu.memref_slice %arg4[%add3A_12, %dma_wait3A_37] : memref<32768x768xf32, #tpu.memory_space<hbm>> -> memref<128x768xf32, #tpu.memory_space<hbm>>
      %dma_wait3A_39 = arith.constant 0 : i32
      %dma_wait3A_40 = tpu.memref_slice %arg4[%add3A_12, %dma_wait3A_39] : memref<32768x768xf32, #tpu.memory_space<hbm>> -> memref<128x768xf32, #tpu.memory_space<hbm>>
      tpu.wait_dma2 semaphore(%run_scoped3A : memref<!tpu.dma_semaphore, #tpu.memory_space<semaphore_mem>>) src(%arg6 : memref<128x768xf32, #tpu.memory_space<vmem>>) dst(%dma_wait3A_40 : memref<128x768xf32, #tpu.memory_space<hbm>>)
      tpu.yield
    }) : () -> ()
    %add3A_13 = arith.constant 16384 : i32
    %add3A_14 = arith.addi %add3A_13, %add3A_4 : i32
    "tpu.region"() ({
      %run_scoped3A = tpu.sem_alloc : memref<!tpu.dma_semaphore, #tpu.memory_space<semaphore_mem>>
      %dma_start3A_33 = arith.constant 0 : i32
      %dma_start3A_34 = tpu.memref_slice %arg4[%add3A_14, %dma_start3A_33] : memref<32768x768xf32, #tpu.memory_space<hbm>> -> memref<128x768xf32, #tpu.memory_space<hbm>>
      %dma_start3A_35 = arith.constant 0 : i32
      %dma_start3A_36 = tpu.memref_slice %arg4[%add3A_14, %dma_start3A_35] : memref<32768x768xf32, #tpu.memory_space<hbm>> -> memref<128x768xf32, #tpu.memory_space<hbm>>
      tpu.enqueue_dma source(%arg6 : memref<128x768xf32, #tpu.memory_space<vmem>>) target(%dma_start3A_36 : memref<128x768xf32, #tpu.memory_space<hbm>>) target_semaphore(%run_scoped3A : memref<!tpu.dma_semaphore, #tpu.memory_space<semaphore_mem>>)
      %dma_wait3A_37 = arith.constant 0 : i32
      %dma_wait3A_38 = tpu.memref_slice %arg4[%add3A_14, %dma_wait3A_37] : memref<32768x768xf32, #tpu.memory_space<hbm>> -> memref<128x768xf32, #tpu.memory_space<hbm>>
      %dma_wait3A_39 = arith.constant 0 : i32
      %dma_wait3A_40 = tpu.memref_slice %arg4[%add3A_14, %dma_wait3A_39] : memref<32768x768xf32, #tpu.memory_space<hbm>> -> memref<128x768xf32, #tpu.memory_space<hbm>>
      tpu.wait_dma2 semaphore(%run_scoped3A : memref<!tpu.dma_semaphore, #tpu.memory_space<semaphore_mem>>) src(%arg6 : memref<128x768xf32, #tpu.memory_space<vmem>>) dst(%dma_wait3A_40 : memref<128x768xf32, #tpu.memory_space<hbm>>)
      tpu.yield
    }) : () -> ()
    %add3A_15 = arith.constant 24576 : i32
    %add3A_16 = arith.addi %add3A_15, %add3A_4 : i32
    "tpu.region"() ({
      %run_scoped3A = tpu.sem_alloc : memref<!tpu.dma_semaphore, #tpu.memory_space<semaphore_mem>>
      %dma_start3A_33 = arith.constant 0 : i32
      %dma_start3A_34 = tpu.memref_slice %arg4[%add3A_16, %dma_start3A_33] : memref<32768x768xf32, #tpu.memory_space<hbm>> -> memref<128x768xf32, #tpu.memory_space<hbm>>
      %dma_start3A_35 = arith.constant 0 : i32
      %dma_start3A_36 = tpu.memref_slice %arg4[%add3A_16, %dma_start3A_35] : memref<32768x768xf32, #tpu.memory_space<hbm>> -> memref<128x768xf32, #tpu.memory_space<hbm>>
      tpu.enqueue_dma source(%arg6 : memref<128x768xf32, #tpu.memory_space<vmem>>) target(%dma_start3A_36 : memref<128x768xf32, #tpu.memory_space<hbm>>) target_semaphore(%run_scoped3A : memref<!tpu.dma_semaphore, #tpu.memory_space<semaphore_mem>>)
      %dma_wait3A_37 = arith.constant 0 : i32
      %dma_wait3A_38 = tpu.memref_slice %arg4[%add3A_16, %dma_wait3A_37] : memref<32768x768xf32, #tpu.memory_space<hbm>> -> memref<128x768xf32, #tpu.memory_space<hbm>>
      %dma_wait3A_39 = arith.constant 0 : i32
      %dma_wait3A_40 = tpu.memref_slice %arg4[%add3A_16, %dma_wait3A_39] : memref<32768x768xf32, #tpu.memory_space<hbm>> -> memref<128x768xf32, #tpu.memory_space<hbm>>
      tpu.wait_dma2 semaphore(%run_scoped3A : memref<!tpu.dma_semaphore, #tpu.memory_space<semaphore_mem>>) src(%arg6 : memref<128x768xf32, #tpu.memory_space<vmem>>) dst(%dma_wait3A_40 : memref<128x768xf32, #tpu.memory_space<hbm>>)
      tpu.yield
    }) : () -> ()
    %add3A_17 = arith.constant 128 : i32
    %add3A_18 = arith.addi %mul3A_2, %add3A_17 : i32
    "tpu.region"() ({
      %run_scoped3A = tpu.sem_alloc : memref<!tpu.dma_semaphore, #tpu.memory_space<semaphore_mem>>
      %dma_start3A_33 = tpu.memref_slice %arg3[%add3A_18] : memref<8192xi32, #tpu.memory_space<hbm>> -> memref<128xi32, #tpu.memory_space<hbm>>
      %dma_start3A_34 = tpu.memref_slice %arg3[%add3A_18] : memref<8192xi32, #tpu.memory_space<hbm>> -> memref<128xi32, #tpu.memory_space<hbm>>
      tpu.enqueue_dma source(%dma_start3A_34 : memref<128xi32, #tpu.memory_space<hbm>>) target(%arg5 : memref<128xi32, #tpu.memory_space<vmem>>) target_semaphore(%run_scoped3A : memref<!tpu.dma_semaphore, #tpu.memory_space<semaphore_mem>>)
      %dma_wait3A_35 = tpu.memref_slice %arg3[%add3A_18] : memref<8192xi32, #tpu.memory_space<hbm>> -> memref<128xi32, #tpu.memory_space<hbm>>
      %dma_wait3A_36 = tpu.memref_slice %arg3[%add3A_18] : memref<8192xi32, #tpu.memory_space<hbm>> -> memref<128xi32, #tpu.memory_space<hbm>>
      tpu.wait_dma2 semaphore(%run_scoped3A : memref<!tpu.dma_semaphore, #tpu.memory_space<semaphore_mem>>) src(%dma_wait3A_36 : memref<128xi32, #tpu.memory_space<hbm>>) dst(%arg5 : memref<128xi32, #tpu.memory_space<vmem>>)
      tpu.yield
    }) : () -> ()
    %dma_start3A_19 = arith.constant 0 : i32
    %dma_start3A_20 = arith.constant 0 : i32
    %dma_start3A_21 = tpu.memref_slice %arg2[%dma_start3A_19, %dma_start3A_20] : memref<8192x768xf32, #tpu.memory_space<hbm>> -> memref<8192x768xf32, #tpu.memory_space<hbm>>
    tpu.enqueue_indirect_dma source(%dma_start3A_21 : memref<8192x768xf32, #tpu.memory_space<hbm>>) target(%arg6 : memref<128x768xf32, #tpu.memory_space<vmem>>) offsets(%arg5 : memref<128xi32, #tpu.memory_space<vmem>>) semaphore(%arg7 : memref<!tpu.dma_semaphore, #tpu.memory_space<semaphore_mem>>)
    %dma_wait3A_22 = arith.constant 0 : i32
    %dma_wait3A_23 = arith.constant 0 : i32
    %dma_wait3A_24 = tpu.memref_slice %arg2[%dma_wait3A_22, %dma_wait3A_23] : memref<8192x768xf32, #tpu.memory_space<hbm>> -> memref<8192x768xf32, #tpu.memory_space<hbm>>
    tpu.wait_indirect_dma semaphore(%arg7 : memref<!tpu.dma_semaphore, #tpu.memory_space<semaphore_mem>>) src(%dma_wait3A_24 : memref<8192x768xf32, #tpu.memory_space<hbm>>) dst(%arg6 : memref<128x768xf32, #tpu.memory_space<vmem>>)
    %add3A_25 = arith.constant 0 : i32
    %add3A_26 = arith.addi %add3A_25, %add3A_18 : i32
    "tpu.region"() ({
      %run_scoped3A = tpu.sem_alloc : memref<!tpu.dma_semaphore, #tpu.memory_space<semaphore_mem>>
      %dma_start3A_33 = arith.constant 0 : i32
      %dma_start3A_34 = tpu.memref_slice %arg4[%add3A_26, %dma_start3A_33] : memref<32768x768xf32, #tpu.memory_space<hbm>> -> memref<128x768xf32, #tpu.memory_space<hbm>>
      %dma_start3A_35 = arith.constant 0 : i32
      %dma_start3A_36 = tpu.memref_slice %arg4[%add3A_26, %dma_start3A_35] : memref<32768x768xf32, #tpu.memory_space<hbm>> -> memref<128x768xf32, #tpu.memory_space<hbm>>
      tpu.enqueue_dma source(%arg6 : memref<128x768xf32, #tpu.memory_space<vmem>>) target(%dma_start3A_36 : memref<128x768xf32, #tpu.memory_space<hbm>>) target_semaphore(%run_scoped3A : memref<!tpu.dma_semaphore, #tpu.memory_space<semaphore_mem>>)
      %dma_wait3A_37 = arith.constant 0 : i32
      %dma_wait3A_38 = tpu.memref_slice %arg4[%add3A_26, %dma_wait3A_37] : memref<32768x768xf32, #tpu.memory_space<hbm>> -> memref<128x768xf32, #tpu.memory_space<hbm>>
      %dma_wait3A_39 = arith.constant 0 : i32
      %dma_wait3A_40 = tpu.memref_slice %arg4[%add3A_26, %dma_wait3A_39] : memref<32768x768xf32, #tpu.memory_space<hbm>> -> memref<128x768xf32, #tpu.memory_space<hbm>>
      tpu.wait_dma2 semaphore(%run_scoped3A : memref<!tpu.dma_semaphore, #tpu.memory_space<semaphore_mem>>) src(%arg6 : memref<128x768xf32, #tpu.memory_space<vmem>>) dst(%dma_wait3A_40 : memref<128x768xf32, #tpu.memory_space<hbm>>)
      tpu.yield
    }) : () -> ()
    %add3A_27 = arith.constant 8192 : i32
    %add3A_28 = arith.addi %add3A_27, %add3A_18 : i32
    "tpu.region"() ({
      %run_scoped3A = tpu.sem_alloc : memref<!tpu.dma_semaphore, #tpu.memory_space<semaphore_mem>>
      %dma_start3A_33 = arith.constant 0 : i32
      %dma_start3A_34 = tpu.memref_slice %arg4[%add3A_28, %dma_start3A_33] : memref<32768x768xf32, #tpu.memory_space<hbm>> -> memref<128x768xf32, #tpu.memory_space<hbm>>
      %dma_start3A_35 = arith.constant 0 : i32
      %dma_start3A_36 = tpu.memref_slice %arg4[%add3A_28, %dma_start3A_35] : memref<32768x768xf32, #tpu.memory_space<hbm>> -> memref<128x768xf32, #tpu.memory_space<hbm>>
      tpu.enqueue_dma source(%arg6 : memref<128x768xf32, #tpu.memory_space<vmem>>) target(%dma_start3A_36 : memref<128x768xf32, #tpu.memory_space<hbm>>) target_semaphore(%run_scoped3A : memref<!tpu.dma_semaphore, #tpu.memory_space<semaphore_mem>>)
      %dma_wait3A_37 = arith.constant 0 : i32
      %dma_wait3A_38 = tpu.memref_slice %arg4[%add3A_28, %dma_wait3A_37] : memref<32768x768xf32, #tpu.memory_space<hbm>> -> memref<128x768xf32, #tpu.memory_space<hbm>>
      %dma_wait3A_39 = arith.constant 0 : i32
      %dma_wait3A_40 = tpu.memref_slice %arg4[%add3A_28, %dma_wait3A_39] : memref<32768x768xf32, #tpu.memory_space<hbm>> -> memref<128x768xf32, #tpu.memory_space<hbm>>
      tpu.wait_dma2 semaphore(%run_scoped3A : memref<!tpu.dma_semaphore, #tpu.memory_space<semaphore_mem>>) src(%arg6 : memref<128x768xf32, #tpu.memory_space<vmem>>) dst(%dma_wait3A_40 : memref<128x768xf32, #tpu.memory_space<hbm>>)
      tpu.yield
    }) : () -> ()
    %add3A_29 = arith.constant 16384 : i32
    %add3A_30 = arith.addi %add3A_29, %add3A_18 : i32
    "tpu.region"() ({
      %run_scoped3A = tpu.sem_alloc : memref<!tpu.dma_semaphore, #tpu.memory_space<semaphore_mem>>
      %dma_start3A_33 = arith.constant 0 : i32
      %dma_start3A_34 = tpu.memref_slice %arg4[%add3A_30, %dma_start3A_33] : memref<32768x768xf32, #tpu.memory_space<hbm>> -> memref<128x768xf32, #tpu.memory_space<hbm>>
      %dma_start3A_35 = arith.constant 0 : i32
      %dma_start3A_36 = tpu.memref_slice %arg4[%add3A_30, %dma_start3A_35] : memref<32768x768xf32, #tpu.memory_space<hbm>> -> memref<128x768xf32, #tpu.memory_space<hbm>>
      tpu.enqueue_dma source(%arg6 : memref<128x768xf32, #tpu.memory_space<vmem>>) target(%dma_start3A_36 : memref<128x768xf32, #tpu.memory_space<hbm>>) target_semaphore(%run_scoped3A : memref<!tpu.dma_semaphore, #tpu.memory_space<semaphore_mem>>)
      %dma_wait3A_37 = arith.constant 0 : i32
      %dma_wait3A_38 = tpu.memref_slice %arg4[%add3A_30, %dma_wait3A_37] : memref<32768x768xf32, #tpu.memory_space<hbm>> -> memref<128x768xf32, #tpu.memory_space<hbm>>
      %dma_wait3A_39 = arith.constant 0 : i32
      %dma_wait3A_40 = tpu.memref_slice %arg4[%add3A_30, %dma_wait3A_39] : memref<32768x768xf32, #tpu.memory_space<hbm>> -> memref<128x768xf32, #tpu.memory_space<hbm>>
      tpu.wait_dma2 semaphore(%run_scoped3A : memref<!tpu.dma_semaphore, #tpu.memory_space<semaphore_mem>>) src(%arg6 : memref<128x768xf32, #tpu.memory_space<vmem>>) dst(%dma_wait3A_40 : memref<128x768xf32, #tpu.memory_space<hbm>>)
      tpu.yield
    }) : () -> ()
    %add3A_31 = arith.constant 24576 : i32
    %add3A_32 = arith.addi %add3A_31, %add3A_18 : i32
    "tpu.region"() ({
      %run_scoped3A = tpu.sem_alloc : memref<!tpu.dma_semaphore, #tpu.memory_space<semaphore_mem>>
      %dma_start3A_33 = arith.constant 0 : i32
      %dma_start3A_34 = tpu.memref_slice %arg4[%add3A_32, %dma_start3A_33] : memref<32768x768xf32, #tpu.memory_space<hbm>> -> memref<128x768xf32, #tpu.memory_space<hbm>>
      %dma_start3A_35 = arith.constant 0 : i32
      %dma_start3A_36 = tpu.memref_slice %arg4[%add3A_32, %dma_start3A_35] : memref<32768x768xf32, #tpu.memory_space<hbm>> -> memref<128x768xf32, #tpu.memory_space<hbm>>
      tpu.enqueue_dma source(%arg6 : memref<128x768xf32, #tpu.memory_space<vmem>>) target(%dma_start3A_36 : memref<128x768xf32, #tpu.memory_space<hbm>>) target_semaphore(%run_scoped3A : memref<!tpu.dma_semaphore, #tpu.memory_space<semaphore_mem>>)
      %dma_wait3A_37 = arith.constant 0 : i32
      %dma_wait3A_38 = tpu.memref_slice %arg4[%add3A_32, %dma_wait3A_37] : memref<32768x768xf32, #tpu.memory_space<hbm>> -> memref<128x768xf32, #tpu.memory_space<hbm>>
      %dma_wait3A_39 = arith.constant 0 : i32
      %dma_wait3A_40 = tpu.memref_slice %arg4[%add3A_32, %dma_wait3A_39] : memref<32768x768xf32, #tpu.memory_space<hbm>> -> memref<128x768xf32, #tpu.memory_space<hbm>>
      tpu.wait_dma2 semaphore(%run_scoped3A : memref<!tpu.dma_semaphore, #tpu.memory_space<semaphore_mem>>) src(%arg6 : memref<128x768xf32, #tpu.memory_space<vmem>>) dst(%dma_wait3A_40 : memref<128x768xf32, #tpu.memory_space<hbm>>)
      tpu.yield
    }) : () -> ()
    return
  }
}

</mosaic_0001>

<sc_bundles>
// kernel: kernel.3.cloned.1.call-start
scs
__scs_entry_jumppad:
0x0: {  	(pc) =	sbr.rel $0x88, $3  }
0x1: {  	(tag) =	ssettag $0x0;
	lr =	simm.s32 $0x1  }
0x2: {  	[smem:$0x3F9F] =	sst lr;
	_ =	strace $0xD0000000  }
0x3: {  	_ = 	snop  }
0x4: {  	_ = 	snop  }
0x5: {  	_ = 	snop  }
0x6: {  	_ = 	snop  }
0x7: {  	_ = 	snop  }
__scs_overlays_trampoline_lowered:
0x8: {  	[smem:$0x3FAE] =	sst s0  }
0x9: {  	[smem:$0x3FAF] =	sst s1  }
0xa: {  	[smem:$0x3FB0] =	sst s2  }
0xb: {  	[smem:$0x3FB1] =	sst s3  }
0xc: {  	[smem:$0x3FB2] =	sst s4  }
0xd: {  	[smem:$0x3FB3] =	sst s5  }
0xe: {  	[smem:$0x3FB4] =	sst s6  }
0xf: {  	[smem:$0x3FB5] =	sst s7  }
0x10: {  	[smem:$0x3FB6] =	sst s8  }
0x11: {  	[smem:$0x3FB7] =	sst s9;
	s0 =	simm.s32 @!p0 $0x0  }
0x12: {  	s1 =	sld [smem:$0x3F9D];
	s0 =	simm.s32 @p0 $0x1  }
0x13: {  	[smem:$0x3FB8] =	sst s0;
	s0 =	simm.s32 @!p1 $0x0  }
0x14: {  	s2 =	sld [smem:$0x3F9C];
	s0 =	simm.s32 @p1 $0x1  }
0x15: {  	[smem:$0x3FB9] =	sst s0;
	s0 =	simm.s32 @!p2 $0x0  }
0x16: {  	s3 =	sld [smem:$0x3FDB];
	s0 =	simm.s32 @p2 $0x1  }
0x17: {  	s4 =	simm.s32 $0x1BF5;
	[smem:$0x3FBB] =	sst s0  }
0x18: {  	s0 =	sld [smem:$0x3F9E];
	_ =	swait.ge [sflag:s4], $0x0  }
0x19: {  	s7 =	sld [smem:$0x3F9F]  }
0x1a: {  	s8 =	sadd.s32 $0xFFFFE003, lr  }
0x1b: {  	s9 =	sadd.s32 $0xFFFFFEF7, lr;
	s5 =	simm.s32 $0xFFFFFFFF;
	p2 =	slt.u32 s8, $0xFFFFF086  }
0x1c: {  	p1 =	slt.u32 s9, $0xF7A;
	s5 =	simm.s32 @!p2 $0x0  }
0x1d: {  	s5 =	simm.s32 @p1 $0x1;
	p0 =	seq.s32 s7, s2  }
0x1e: {  	s7 =	smul.u32 @!p0 $0xF7A, s2;
	p2 =	seq.s32 @!p0 s5, $0x0  }
0x1f: {  	s9 =	smul.u32 $0xF7A, s1;
	s8 =	simm.s32 @!p0 $0x1BF5;
	p2 =	por !p2, p0  }
0x20: {  	[sflag:s8] =	ssyncset.s32 @!p0 $0xFFFFF086;
	s6 =	sadd.s32 @!p0 s3, s7;
	s7 =	simm.s32 @!p0 $0x108  }
0x21: {  	s3 =	sadd.s32 s3, s9;
	s6 =	sadd.s32 @!p0 $0x88, s6;
	s7 =	simm.s32 @p2 $0x1082  }
0x22: {  	[simem:s7], [sflag:s8] =	dma.local @!p0 [hbm:s6], $0xF7A  }
0x23: {  	s9 =	sor.u32 $0xD0000000, s2;
	s6 =	simm.s32 $0x108;
	_ =	swait.ge @!p0 [sflag:s8], $0x0  }
0x24: {  	s3 =	sadd.s32 $0x88, s3;
	s6 =	simm.s32 @!p1 $0x1082;
	[sflag:s4] =	ssyncset.s32 $0xFFFFF086  }
0x25: {  	[simem:s6], [sflag:s4] =	dma.local [hbm:s3], $0xF7A  }
0x26: {  	[smem:$0x3F9F] =	sst s1;
	(tag) =	ssettag s2;
	_ =	strace s9  }
0x27: {  	s1 =	sld [smem:$0x3FAF]  }
0x28: {  	s2 =	sld [smem:$0x3FB0]  }
0x29: {  	s4 =	sld [smem:$0x3FB2]  }
0x2a: {  	p0 =	seq.s32 s5, $0x0;
	s5 =	sld [smem:$0x3FB3]  }
0x2b: {  	s6 =	sld [smem:$0x3FB4]  }
0x2c: {  	s7 =	sld [smem:$0x3FB5]  }
0x2d: {  	s3 =	simm.s32 $0x108;
	s8 =	sld [smem:$0x3FB6]  }
0x2e: {  	s3 =	simm.s32 @!p0 $0x1082;
	s9 =	sld [smem:$0x3FB7]  }
0x2f: {  	lr =	sadd.s32 s0, s3;
	s0 =	sld [smem:$0x3FAE]  }
0x30: {  	s3 =	sld [smem:$0x3FB1]  }
0x31: {  	[smem:$0x3FBA] =	sst s10  }
0x32: {  	s10 =	sld [smem:$0x3FB8];
	_ =	sdelay $0x3  }
0x33: {  	p0 =	seq.s32 s10, $0x1;
	s10 =	sld [smem:$0x3FBA];
	_ =	sdelay $0x3  }
0x34: {  	[smem:$0x3FBA] =	sst s10  }
0x35: {  	s10 =	sld [smem:$0x3FB9];
	_ =	sdelay $0x3  }
0x36: {  	p1 =	seq.s32 s10, $0x1;
	s10 =	sld [smem:$0x3FBA];
	_ =	sdelay $0x3  }
0x37: {  	[smem:$0x3FBA] =	sst s10  }
0x38: {  	s10 =	sld [smem:$0x3FBB]  }
0x39: {  	_ = 	snop;
	(pc) =	sbr.ind lr, $3  }
0x3a: {  	_ = 	snop  }
0x3b: {  	_ = 	snop  }
0x3c: {  	p2 =	seq.s32 s10, $0x1;
	s10 =	sld [smem:$0x3FBA]  }
0x3d: {  	_ =	shalt  }
0x3e: {  	_ =	shalt  }
0x3f: {  	_ =	shalt  }
0x40: {  	_ =	shalt  }
0x41: {  	_ =	shalt  }
0x42: {  	_ =	shalt  }
0x43: {  	_ =	shalt  }
0x44: {  	_ =	shalt  }
0x45: {  	_ =	shalt  }
0x46: {  	_ =	shalt  }
0x47: {  	_ =	shalt  }
0x48: {  	_ =	shalt  }
0x49: {  	_ =	shalt  }
0x4a: {  	_ =	shalt  }
0x4b: {  	_ =	shalt  }
0x4c: {  	_ =	shalt  }
0x4d: {  	_ =	shalt  }
0x4e: {  	_ =	shalt  }
0x4f: {  	_ =	shalt  }
0x50: {  	_ =	shalt  }
0x51: {  	_ =	shalt  }
0x52: {  	_ =	shalt  }
0x53: {  	_ =	shalt  }
0x54: {  	_ =	shalt  }
0x55: {  	_ =	shalt  }
0x56: {  	_ =	shalt  }
0x57: {  	_ =	shalt  }
0x58: {  	_ =	shalt  }
0x59: {  	_ =	shalt  }
0x5a: {  	_ =	shalt  }
0x5b: {  	_ =	shalt  }
0x5c: {  	_ =	shalt  }
0x5d: {  	_ =	shalt  }
0x5e: {  	_ =	shalt  }
0x5f: {  	_ =	shalt  }
0x60: {  	_ =	shalt  }
0x61: {  	_ =	shalt  }
0x62: {  	_ =	shalt  }
0x63: {  	_ =	shalt  }
0x64: {  	_ =	shalt  }
0x65: {  	_ =	shalt  }
0x66: {  	_ =	shalt  }
0x67: {  	_ =	shalt  }
0x68: {  	_ =	shalt  }
0x69: {  	_ =	shalt  }
0x6a: {  	_ =	shalt  }
0x6b: {  	_ =	shalt  }
0x6c: {  	_ =	shalt  }
0x6d: {  	_ =	shalt  }
0x6e: {  	_ =	shalt  }
0x6f: {  	_ =	shalt  }
0x70: {  	_ =	shalt  }
0x71: {  	_ =	shalt  }
0x72: {  	_ =	shalt  }
0x73: {  	_ =	shalt  }
0x74: {  	_ =	shalt  }
0x75: {  	_ =	shalt  }
0x76: {  	_ =	shalt  }
0x77: {  	_ =	shalt  }
0x78: {  	_ =	shalt  }
0x79: {  	_ =	shalt  }
0x7a: {  	_ =	shalt  }
0x7b: {  	_ =	shalt  }
0x7c: {  	_ =	shalt  }
0x7d: {  	_ =	shalt  }
0x7e: {  	_ =	shalt  }
0x7f: {  	_ =	shalt  }
0x80: {  	_ =	shalt  }
0x81: {  	_ =	shalt  }
0x82: {  	_ =	shalt  }
0x83: {  	_ =	shalt  }
0x84: {  	_ =	shalt  }
0x85: {  	_ =	shalt  }
0x86: {  	_ =	shalt  }
0x87: {  	_ =	shalt  }
.Lfunc_end0:
.L_simem_size_0:
called_computation_lowered:
.L_overlay_start_0:
0x88: {  	s2 =	sld [smem:$0x3FD9]  }
0x89: {  	s3 =	sld [smem:$0x3FFE];
	_ =	sdelay $0x1  }
0x8a: {  	s1 =	srdreg.scid  }
0x8b: {  	s0 =	sand.u32 $0x1, s1  }
0x8c: {  	s18 =	sshll.u32 s0, $0xA;
	s2 =	sadd.s32 s3, s2  }
0x8d: {  	s2 =	sadd.s32 s2, s18  }
0x8e: {  	[smem:$0x3FC6] =	sst s2  }
0x8f: {  	_ = 	snop  }
0x90: {  	s2 =	sld [smem:$0x3FC9]  }
0x91: {  	s19 =	sld [smem:$0x3FC8]  }
0x92: {  	s4 =	sld [smem:$0x3FD0];
	(tm) =	ssettm $0x1  }
0x93: {  	s5 =	sld [smem:$0x3FFB];
	_ =	sdelay $0x3  }
0x94: {  	_ =	strace s5  }
0x95: {  	s5 =	sld [smem:$0x3FFC];
	_ =	sdelay $0x3  }
0x96: {  	_ =	strace s5  }
0x97: {  	s5 =	sld [smem:$0x3FFD];
	_ =	sdelay $0x3  }
0x98: {  	_ =	strace s5  }
0x99: {  	_ =	strace $0x8FFFFFFF  }
0x9a: {  	s20 =	sld [smem:$0x3FDB];
	_ =	sdelay $0x1  }
0x9b: {  	s6 =	simm.s32 $_scs_section_size  }
0x9c: {  	s7 =	simm.s32 $_size__tile_overlayer_lowered;
	s8 =	simm.s32 $_tile_overlayer_lowered  }
0x9d: {  	s23 =	simm.s32 $0x1BFF;
	s22 =	sshll.u32 s8, $0x1;
	s5 =	sadd.s32 s6, s20  }
0x9e: {  	s9 =	simm.s32 $0x0;
	s21 =	sshll.u32 s7, $0x1;
	s7 =	sadd.s32 s22, s5  }
0x9f: {  	[timem:s9], [sflag:s23] =	dma.local [hbm:s7], s21  }
0xa0: {  	_ =	swait.ge [sflag:s23], s21  }
0xa1: {  	s6 =	ssub.s32 $0x0, s21;
	[sflag:s23] =	ssyncset.done $0x0  }
0xa2: {  	[sflag:s23] =	ssyncadd.s32 s6;
	_ =	sdelay $0x1  }
0xa3: {  	s24 =	simm.s32 $0x1B8B  }
0xa4: {  	_ =	swait.ge [sflag:s24], $0x1  }
0xa5: {  	[sflag:s24] =	ssyncset.done $0x0  }
0xa6: {  	s25 =	simm.s32 $0x1B8E;
	[sflag:s24] =	ssyncadd.s32 $0xFFFFFFFF  }
0xa7: {  	s26 =	simm.s32 $execute0_lowered;
	[smem:$0x3FD2] =	sst s25  }
0xa8: {  	s6 =	sshll.u32 s26, $0x1;
	_ =	strace $0x80000046;
	[dreg:$0x1] =	wrdreg $0xFFFFFFFF  }
0xa9: {  	s28 =	simm.s32 $_size_execute0_lowered;
	s5 =	sadd.s32 s5, s6;
	[dreg:$0x0] =	wrdreg $0x0  }
0xaa: {  	s6 =	sshll.u32 s28, $0x1;
	[dreg:$0x2] =	wrdreg s5  }
0xab: {  	[dreg:$0x3] =	wrdreg s6  }
0xac: {  	[dreg:$0x4] =	wrdreg $0xC0  }
0xad: {  	_ =	task [dreg:s9], $0x5FFFF  }
0xae: {  	[dreg:$0x1] =	wrdreg $0xFFFFFFFF  }
0xaf: {  	[dreg:$0x0] =	wrdreg $0x60  }
0xb0: {  	[dreg:$0x2] =	wrdreg s2  }
0xb1: {  	[dreg:$0x3] =	wrdreg s19  }
0xb2: {  	[dreg:$0x4] =	wrdreg s4  }
0xb3: {  	[dreg:$0x5] =	wrdreg $0x9  }
0xb4: {  	_ =	task.clear_ibuf [dreg:s9], $0x6FFFF;
	_ =	strace $0x90000046  }
0xb5: {  	s29 =	simm.s32 $0x9;
	_ =	strace $0x80000048  }
0xb6: {  	_ =	swait.ge [sflag:s29], $0x1  }
0xb7: {  	[sflag:s29] =	ssyncadd.s32 $0xFFFFFFFF  }
0xb8: {  	_ =	strace $0x90000048  }
0xb9: {  	_ =	sfence  }
0xba: {  	s30 =	sld [smem:$0x0];
	_ =	sdelay $0x2  }
0xbb: {  	s31 =	sshll.u32 s1, $0xD;
	s1 =	sshrl.u32 s1, $0x2  }
0xbc: {  	s3 =	sand.u32 $0x4000, s31;
	s1 =	sadd.s32 s1, s30  }
0xbd: {  	s0 =	sor.u32 s3, s0;
	s1 =	sshll.u32 s1, $0x11  }
0xbe: {  	s0 =	sor.u32 s1, s0  }
0xbf: {  	s0 =	sadd.s32 $0x8F2B, s0  }
0xc0: {  	[sflag:s0] =	ssyncadd.remote.s32 $0x1  }
0xc1: {  	_ =	sfence.sel $0xFFFF  }
0xc2: {  	[dreg:$0x0] =	wrdreg $0xFFFFFFFF;
	(pc) =	sbr.abs _section_cstart, $3  }
0xc3: {  	[dreg:$0x1] =	wrdreg $0xFFFFFFFF  }
0xc4: {  	_ =	task.clear_ibuf [dreg:s9], $0x2FFFF;
	_ =	strace $0x9FFFFFFF  }
0xc5: {  	(tm) =	ssettm $0x7FFFFFFF  }
tec
execute0_lowered:
.L_overlay_start_1:
0x0: {  	(tag) =	ssettag $0x1  }
0x1: {  	s1 =	rddreg [dreg:$0x0]  }
0x2: {  	s0 =	srdreg.scid;
	s2 =	rddreg [dreg:$0x1]  }
0x3: {  	s3 =	stileid.u32;
	s5 =	rddreg [dreg:$0x2]  }
0x4: {  	s9 =	simm.s32 $0x80;
	s11 =	simm.s32 $0x1;
	s13 =	simm.s32 $0x880  }
0x5: {  	s14 =	simm.s32 $0x1080;
	s15 =	simm.s32 $0x1880;
	s16 =	simm.s32 $0x2080  }
0x6: {  	s17 =	simm.s32 $0x2880;
	s18 =	simm.s32 $0x3080;
	s28 =	simm.s32 $0x8080  }
0x7: {  	s29 =	simm.s32 $0x8880;
	s30 =	simm.s32 $0x9080;
	s0 =	sand.u32 $0x1, s0  }
0x8: {  	s31 =	simm.s32 $0x9880;
	s3 =	sshll.u32 s3, $0x6;
	s4 =	sshll.u32 s0, $0x5  }
0x9: {  	s10 =	simm.s32 $0xB080;
	s0 =	ssub.s32 $0x2, s0;
	s6 =	sor.u32 s4, s3  }
0xa: {  	s3 =	simm.s32 $0x0;
	s24 =	sshrl.u32 s0, $0x1;
	s4 =	smul.u32 $0x300, s6  }
0xb: {  	[smem:$0x7FF] =	sst s3;
	s7 =	sadd.s32 s2, s6;
	s6 =	sor.u32 $0x10, s6  }
0xc: {  	_ =	strace $0x80000047;
	[dreg:$0x4] =	wrdreg s7;
	s2 =	sadd.s32 s2, s6  }
0xd: {  	s0 =	ssub.s32 s0, s24;
	s4 =	sadd.s32 s5, s4;
	[dreg:$0x8] =	wrdreg s2  }
0xe: {  	s24 =	simm.s32 $0x6080;
	s19 =	sadd.s32 $0xC0000, s4;
	[dreg:$0xd] =	wrdreg s4  }
0xf: {  	s8 =	smul.u32 $0x300, s6;
	s20 =	sadd.s32 $0x180000, s4;
	[dreg:$0x5] =	wrdreg s19  }
0x10: {  	s6 =	sadd.s32 $0x200, s1;
	s21 =	sadd.s32 $0x240000, s4;
	[dreg:$0x6] =	wrdreg s20  }
0x11: {  	s7 =	smax.u32 s0, $0x1;
	s22 =	sadd.s32 s5, s8;
	[dreg:$0x7] =	wrdreg s21  }
0x12: {  	s2 =	simm.s32 $0xA080;
	s23 =	sadd.s32 $0xC3000, s4;
	[dreg:$0x9] =	wrdreg s22  }
0x13: {  	s25 =	sadd.s32 $0x183000, s4;
	s26 =	sadd.s32 $0x243000, s4;
	[dreg:$0xa] =	wrdreg s23  }
0x14: {  	s5 =	sadd.s32 $0x100, s1;
	s8 =	simm.s32 $0x2;
	[dreg:$0xb] =	wrdreg s25  }
0x15: {  	v2 =	vlaneseq.u32;
	s4 =	simm.s32 $0x7080;
	[dreg:$0xc] =	wrdreg s26;
	s19 =	simm.s32 $0x3880  }
0x16: {  	vm0 =	vmmov $0xffff;
	v1 =	vshrl.u32 v2, $0x3;
	s20 =	simm.s32 $0x4080;
	s21 =	simm.s32 $0x4880;
	s22 =	simm.s32 $0x5080  }
0x17: {  	v0 =	vand.u32 $0x7, v2;
	v2 =	vor.u32 $0x8, v2;
	v1 =	vmul.u32 $0x8, v1;
	s23 =	simm.s32 $0x5880;
	s25 =	simm.s32 $0x6880;
	s26 =	simm.s32 $0x7880  }
.LBB2_1:
0x18: {  	s12 =	rddreg [dreg:$0x4]  }
0x19: {  	[tilespmem:s3], [sflag:$0x2] =	stream.linear.gather [hbm4b:s12+s3], $0x80, $0x38;
	[tilespmem:$0x18080] =	vst v63  }
0x1a: {  	_ =	swait.ge [sflag:s8], $0x80  }
0x1b: {  	[sflag:s8] =	ssyncset.done $0x0  }
0x1c: {  	[sflag:s8] =	ssyncadd.s32 $0xFFFFFF80  }
0x1d: {  	v3 =	vld [tilespmem:$0x0];
	_ =	sdelay $0x4  }
0x1e: {  	v4 =	vshrl.u32 v3, $0x3  }
0x1f: {  	v4 =	vmul.u32 $0x30, v4  }
0x20: {  	v3 =	vand.u32 $0x7, v3  }
0x21: {  	v3 =	vor.u32 v3, v4  }
0x22: {  	v4 =	vperm.xlane v3, v0;
	_ =	sdelay $0x1  }
0x23: {  	v4 =	vadd.s32 v1, v4;
	_ =	sdelay $0x3  }
0x24: {  	v3 =	vperm.xlane v3, v2  }
0x25: {  	[tilespmem:s9], [sflag:$0x1] =	stream.indirect_vreg.gather [hbm4b:s1+s3], $0x80, v4, vm0, $0xb8;
	[tilespmem:$0x18080] =	vst v63  }
0x26: {  	v3 =	vadd.s32 v1, v3  }
0x27: {  	[tilespmem:s13], [sflag:$0x1] =	stream.indirect_vreg.gather [hbm4b:s5+s3], $0x80, v4, vm0, $0xb8;
	[tilespmem:$0x18080] =	vst v63  }
0x28: {  	_ = 	snop  }
0x29: {  	[tilespmem:s14], [sflag:$0x1] =	stream.indirect_vreg.gather [hbm4b:s6+s3], $0x80, v4, vm0, $0xb8;
	[tilespmem:$0x18080] =	vst v63  }
0x2a: {  	_ = 	snop  }
0x2b: {  	[tilespmem:s15], [sflag:$0x1] =	stream.indirect_vreg.gather [hbm4b:s1+s3], $0x80, v3, vm0, $0xb8;
	[tilespmem:$0x18080] =	vst v63  }
0x2c: {  	_ = 	snop  }
0x2d: {  	[tilespmem:s16], [sflag:$0x1] =	stream.indirect_vreg.gather [hbm4b:s5+s3], $0x80, v3, vm0, $0xb8;
	[tilespmem:$0x18080] =	vst v63  }
0x2e: {  	_ = 	snop  }
0x2f: {  	[tilespmem:s17], [sflag:$0x1] =	stream.indirect_vreg.gather [hbm4b:s6+s3], $0x80, v3, vm0, $0xb8;
	[tilespmem:$0x18080] =	vst v63  }
0x30: {  	v3 =	vld [tilespmem:$0x10];
	_ =	sdelay $0x4  }
0x31: {  	v49 =	vshrl.u32 v3, $0x3  }
0x32: {  	v4 =	vmul.u32 $0x30, v49  }
0x33: {  	v3 =	vand.u32 $0x7, v3  }
0x34: {  	v3 =	vor.u32 v3, v4  }
0x35: {  	v4 =	vperm.xlane v3, v0;
	_ =	sdelay $0x1  }
0x36: {  	v4 =	vadd.s32 v1, v4;
	_ =	sdelay $0x3  }
0x37: {  	v3 =	vperm.xlane v3, v2  }
0x38: {  	[tilespmem:s18], [sflag:$0x1] =	stream.indirect_vreg.gather [hbm4b:s1+s3], $0x80, v4, vm0, $0xb8;
	[tilespmem:$0x18080] =	vst v63  }
0x39: {  	v3 =	vadd.s32 v1, v3  }
0x3a: {  	[tilespmem:s19], [sflag:$0x1] =	stream.indirect_vreg.gather [hbm4b:s5+s3], $0x80, v4, vm0, $0xb8;
	[tilespmem:$0x18080] =	vst v63  }
0x3b: {  	_ = 	snop  }
0x3c: {  	[tilespmem:s20], [sflag:$0x1] =	stream.indirect_vreg.gather [hbm4b:s6+s3], $0x80, v4, vm0, $0xb8;
	[tilespmem:$0x18080] =	vst v63  }
0x3d: {  	_ = 	snop  }
0x3e: {  	[tilespmem:s21], [sflag:$0x1] =	stream.indirect_vreg.gather [hbm4b:s1+s3], $0x80, v3, vm0, $0xb8;
	[tilespmem:$0x18080] =	vst v63  }
0x3f: {  	_ = 	snop  }
0x40: {  	[tilespmem:s22], [sflag:$0x1] =	stream.indirect_vreg.gather [hbm4b:s5+s3], $0x80, v3, vm0, $0xb8;
	[tilespmem:$0x18080] =	vst v63  }
0x41: {  	_ = 	snop  }
0x42: {  	[tilespmem:s23], [sflag:$0x1] =	stream.indirect_vreg.gather [hbm4b:s6+s3], $0x80, v3, vm0, $0xb8;
	[tilespmem:$0x18080] =	vst v63  }
0x43: {  	v3 =	vld [tilespmem:$0x20];
	_ =	sdelay $0x4  }
0x44: {  	v50 =	vshrl.u32 v3, $0x3  }
0x45: {  	v4 =	vmul.u32 $0x30, v50  }
0x46: {  	v3 =	vand.u32 $0x7, v3  }
0x47: {  	v3 =	vor.u32 v3, v4  }
0x48: {  	v4 =	vperm.xlane v3, v0;
	_ =	sdelay $0x1  }
0x49: {  	v4 =	vadd.s32 v1, v4;
	_ =	sdelay $0x3  }
0x4a: {  	v3 =	vperm.xlane v3, v2  }
0x4b: {  	[tilespmem:s24], [sflag:$0x1] =	stream.indirect_vreg.gather [hbm4b:s1+s3], $0x80, v4, vm0, $0xb8;
	[tilespmem:$0x18080] =	vst v63  }
0x4c: {  	v3 =	vadd.s32 v1, v3  }
0x4d: {  	[tilespmem:s25], [sflag:$0x1] =	stream.indirect_vreg.gather [hbm4b:s5+s3], $0x80, v4, vm0, $0xb8;
	[tilespmem:$0x18080] =	vst v63  }
0x4e: {  	_ = 	snop  }
0x4f: {  	[tilespmem:s4], [sflag:$0x1] =	stream.indirect_vreg.gather [hbm4b:s6+s3], $0x80, v4, vm0, $0xb8;
	[tilespmem:$0x18080] =	vst v63  }
0x50: {  	_ = 	snop  }
0x51: {  	[tilespmem:s26], [sflag:$0x1] =	stream.indirect_vreg.gather [hbm4b:s1+s3], $0x80, v3, vm0, $0xb8;
	[tilespmem:$0x18080] =	vst v63  }
0x52: {  	_ = 	snop  }
0x53: {  	[tilespmem:s28], [sflag:$0x1] =	stream.indirect_vreg.gather [hbm4b:s5+s3], $0x80, v3, vm0, $0xb8;
	[tilespmem:$0x18080] =	vst v63  }
0x54: {  	_ = 	snop  }
0x55: {  	[tilespmem:s29], [sflag:$0x1] =	stream.indirect_vreg.gather [hbm4b:s6+s3], $0x80, v3, vm0, $0xb8;
	[tilespmem:$0x18080] =	vst v63  }
0x56: {  	v3 =	vld [tilespmem:$0x30];
	_ =	sdelay $0x4  }
0x57: {  	v51 =	vshrl.u32 v3, $0x3  }
0x58: {  	v4 =	vmul.u32 $0x30, v51  }
0x59: {  	v3 =	vand.u32 $0x7, v3  }
0x5a: {  	v3 =	vor.u32 v3, v4  }
0x5b: {  	v4 =	vperm.xlane v3, v0;
	_ =	sdelay $0x1  }
0x5c: {  	v4 =	vadd.s32 v1, v4;
	_ =	sdelay $0x3  }
0x5d: {  	v3 =	vperm.xlane v3, v2  }
0x5e: {  	[tilespmem:s30], [sflag:$0x1] =	stream.indirect_vreg.gather [hbm4b:s1+s3], $0x80, v4, vm0, $0xb8;
	[tilespmem:$0x18080] =	vst v63  }
0x5f: {  	v3 =	vadd.s32 v1, v3  }
0x60: {  	[tilespmem:s31], [sflag:$0x1] =	stream.indirect_vreg.gather [hbm4b:s5+s3], $0x80, v4, vm0, $0xb8;
	[tilespmem:$0x18080] =	vst v63  }
0x61: {  	_ = 	snop  }
0x62: {  	[tilespmem:s2], [sflag:$0x1] =	stream.indirect_vreg.gather [hbm4b:s6+s3], $0x80, v4, vm0, $0xb8;
	[tilespmem:$0x18080] =	vst v63  }
0x63: {  	s0 =	simm.s32 $0xA880  }
0x64: {  	[tilespmem:s0], [sflag:$0x1] =	stream.indirect_vreg.gather [hbm4b:s1+s3], $0x80, v3, vm0, $0xb8;
	[tilespmem:$0x18080] =	vst v63  }
0x65: {  	_ = 	snop  }
0x66: {  	[tilespmem:s10], [sflag:$0x1] =	stream.indirect_vreg.gather [hbm4b:s5+s3], $0x80, v3, vm0, $0xb8;
	[tilespmem:$0x18080] =	vst v63  }
0x67: {  	s12 =	simm.s32 $0xB880  }
0x68: {  	[tilespmem:s12], [sflag:$0x1] =	stream.indirect_vreg.gather [hbm4b:s6+s3], $0x80, v3, vm0, $0xb8;
	[tilespmem:$0x18080] =	vst v63  }
0x69: {  	v3 =	vld [tilespmem:$0x40];
	_ =	sdelay $0x4  }
0x6a: {  	v52 =	vshrl.u32 v3, $0x3  }
0x6b: {  	v4 =	vmul.u32 $0x30, v52  }
0x6c: {  	v3 =	vand.u32 $0x7, v3  }
0x6d: {  	v3 =	vor.u32 v3, v4  }
0x6e: {  	v4 =	vperm.xlane v3, v0;
	_ =	sdelay $0x1  }
0x6f: {  	v4 =	vadd.s32 v1, v4;
	_ =	sdelay $0x3  }
0x70: {  	s12 =	simm.s32 $0xC080;
	v3 =	vperm.xlane v3, v2  }
0x71: {  	[tilespmem:s12], [sflag:$0x1] =	stream.indirect_vreg.gather [hbm4b:s1+s3], $0x80, v4, vm0, $0xb8;
	[tilespmem:$0x18080] =	vst v63  }
0x72: {  	v3 =	vadd.s32 v1, v3;
	s12 =	simm.s32 $0xC880  }
0x73: {  	[tilespmem:s12], [sflag:$0x1] =	stream.indirect_vreg.gather [hbm4b:s5+s3], $0x80, v4, vm0, $0xb8;
	[tilespmem:$0x18080] =	vst v63  }
0x74: {  	s12 =	simm.s32 $0xD080  }
0x75: {  	[tilespmem:s12], [sflag:$0x1] =	stream.indirect_vreg.gather [hbm4b:s6+s3], $0x80, v4, vm0, $0xb8;
	[tilespmem:$0x18080] =	vst v63  }
0x76: {  	s12 =	simm.s32 $0xD880  }
0x77: {  	[tilespmem:s12], [sflag:$0x1] =	stream.indirect_vreg.gather [hbm4b:s1+s3], $0x80, v3, vm0, $0xb8;
	[tilespmem:$0x18080] =	vst v63  }
0x78: {  	s12 =	simm.s32 $0xE080  }
0x79: {  	[tilespmem:s12], [sflag:$0x1] =	stream.indirect_vreg.gather [hbm4b:s5+s3], $0x80, v3, vm0, $0xb8;
	[tilespmem:$0x18080] =	vst v63  }
0x7a: {  	s12 =	simm.s32 $0xE880  }
0x7b: {  	[tilespmem:s12], [sflag:$0x1] =	stream.indirect_vreg.gather [hbm4b:s6+s3], $0x80, v3, vm0, $0xb8;
	[tilespmem:$0x18080] =	vst v63  }
0x7c: {  	v3 =	vld [tilespmem:$0x50];
	_ =	sdelay $0x4  }
0x7d: {  	v53 =	vshrl.u32 v3, $0x3  }
0x7e: {  	v4 =	vmul.u32 $0x30, v53  }
0x7f: {  	v3 =	vand.u32 $0x7, v3  }
0x80: {  	v3 =	vor.u32 v3, v4  }
0x81: {  	v4 =	vperm.xlane v3, v0;
	_ =	sdelay $0x1  }
0x82: {  	v4 =	vadd.s32 v1, v4;
	_ =	sdelay $0x3  }
0x83: {  	s12 =	simm.s32 $0xF080;
	v3 =	vperm.xlane v3, v2  }
0x84: {  	[tilespmem:s12], [sflag:$0x1] =	stream.indirect_vreg.gather [hbm4b:s1+s3], $0x80, v4, vm0, $0xb8;
	[tilespmem:$0x18080] =	vst v63  }
0x85: {  	v3 =	vadd.s32 v1, v3;
	s12 =	simm.s32 $0xF880  }
0x86: {  	[tilespmem:s12], [sflag:$0x1] =	stream.indirect_vreg.gather [hbm4b:s5+s3], $0x80, v4, vm0, $0xb8;
	[tilespmem:$0x18080] =	vst v63  }
0x87: {  	s12 =	simm.s32 $0x10080  }
0x88: {  	[tilespmem:s12], [sflag:$0x1] =	stream.indirect_vreg.gather [hbm4b:s6+s3], $0x80, v4, vm0, $0xb8;
	[tilespmem:$0x18080] =	vst v63  }
0x89: {  	s12 =	simm.s32 $0x10880  }
0x8a: {  	[tilespmem:s12], [sflag:$0x1] =	stream.indirect_vreg.gather [hbm4b:s1+s3], $0x80, v3, vm0, $0xb8;
	[tilespmem:$0x18080] =	vst v63  }
0x8b: {  	s12 =	simm.s32 $0x11080  }
0x8c: {  	[tilespmem:s12], [sflag:$0x1] =	stream.indirect_vreg.gather [hbm4b:s5+s3], $0x80, v3, vm0, $0xb8;
	[tilespmem:$0x18080] =	vst v63  }
0x8d: {  	s12 =	simm.s32 $0x11880  }
0x8e: {  	[tilespmem:s12], [sflag:$0x1] =	stream.indirect_vreg.gather [hbm4b:s6+s3], $0x80, v3, vm0, $0xb8;
	[tilespmem:$0x18080] =	vst v63  }
0x8f: {  	v3 =	vld [tilespmem:$0x60];
	_ =	sdelay $0x4  }
0x90: {  	v54 =	vshrl.u32 v3, $0x3  }
0x91: {  	v4 =	vmul.u32 $0x30, v54  }
0x92: {  	v3 =	vand.u32 $0x7, v3  }
0x93: {  	v3 =	vor.u32 v3, v4  }
0x94: {  	v4 =	vperm.xlane v3, v0;
	_ =	sdelay $0x1  }
0x95: {  	v4 =	vadd.s32 v1, v4;
	_ =	sdelay $0x3  }
0x96: {  	s12 =	simm.s32 $0x12080;
	v3 =	vperm.xlane v3, v2  }
0x97: {  	[tilespmem:s12], [sflag:$0x1] =	stream.indirect_vreg.gather [hbm4b:s1+s3], $0x80, v4, vm0, $0xb8;
	[tilespmem:$0x18080] =	vst v63  }
0x98: {  	v3 =	vadd.s32 v1, v3;
	s12 =	simm.s32 $0x12880  }
0x99: {  	[tilespmem:s12], [sflag:$0x1] =	stream.indirect_vreg.gather [hbm4b:s5+s3], $0x80, v4, vm0, $0xb8;
	[tilespmem:$0x18080] =	vst v63  }
0x9a: {  	s12 =	simm.s32 $0x13080  }
0x9b: {  	[tilespmem:s12], [sflag:$0x1] =	stream.indirect_vreg.gather [hbm4b:s6+s3], $0x80, v4, vm0, $0xb8;
	[tilespmem:$0x18080] =	vst v63  }
0x9c: {  	s12 =	simm.s32 $0x13880  }
0x9d: {  	[tilespmem:s12], [sflag:$0x1] =	stream.indirect_vreg.gather [hbm4b:s1+s3], $0x80, v3, vm0, $0xb8;
	[tilespmem:$0x18080] =	vst v63  }
0x9e: {  	s12 =	simm.s32 $0x14080  }
0x9f: {  	[tilespmem:s12], [sflag:$0x1] =	stream.indirect_vreg.gather [hbm4b:s5+s3], $0x80, v3, vm0, $0xb8;
	[tilespmem:$0x18080] =	vst v63  }
0xa0: {  	s12 =	simm.s32 $0x14880  }
0xa1: {  	[tilespmem:s12], [sflag:$0x1] =	stream.indirect_vreg.gather [hbm4b:s6+s3], $0x80, v3, vm0, $0xb8;
	[tilespmem:$0x18080] =	vst v63  }
0xa2: {  	v3 =	vld [tilespmem:$0x70];
	_ =	sdelay $0x4  }
0xa3: {  	v55 =	vshrl.u32 v3, $0x3  }
0xa4: {  	v4 =	vmul.u32 $0x30, v55  }
0xa5: {  	v3 =	vand.u32 $0x7, v3  }
0xa6: {  	v3 =	vor.u32 v3, v4  }
0xa7: {  	v4 =	vperm.xlane v3, v0;
	_ =	sdelay $0x1  }
0xa8: {  	v4 =	vadd.s32 v1, v4;
	_ =	sdelay $0x3  }
0xa9: {  	s12 =	simm.s32 $0x15080;
	v3 =	vperm.xlane v3, v2  }
0xaa: {  	[tilespmem:s12], [sflag:$0x1] =	stream.indirect_vreg.gather [hbm4b:s1+s3], $0x80, v4, vm0, $0xb8;
	[tilespmem:$0x18080] =	vst v63  }
0xab: {  	v3 =	vadd.s32 v1, v3;
	s12 =	simm.s32 $0x15880  }
0xac: {  	[tilespmem:s12], [sflag:$0x1] =	stream.indirect_vreg.gather [hbm4b:s5+s3], $0x80, v4, vm0, $0xb8;
	[tilespmem:$0x18080] =	vst v63  }
0xad: {  	s12 =	simm.s32 $0x16080  }
0xae: {  	[tilespmem:s12], [sflag:$0x1] =	stream.indirect_vreg.gather [hbm4b:s6+s3], $0x80, v4, vm0, $0xb8;
	[tilespmem:$0x18080] =	vst v63  }
0xaf: {  	s12 =	simm.s32 $0x16880  }
0xb0: {  	[tilespmem:s12], [sflag:$0x1] =	stream.indirect_vreg.gather [hbm4b:s1+s3], $0x80, v3, vm0, $0xb8;
	[tilespmem:$0x18080] =	vst v63  }
0xb1: {  	s12 =	simm.s32 $0x17080  }
0xb2: {  	[tilespmem:s12], [sflag:$0x1] =	stream.indirect_vreg.gather [hbm4b:s5+s3], $0x80, v3, vm0, $0xb8;
	[tilespmem:$0x18080] =	vst v63  }
0xb3: {  	s12 =	simm.s32 $0x17880  }
0xb4: {  	[tilespmem:s12], [sflag:$0x1] =	stream.indirect_vreg.gather [hbm4b:s6+s3], $0x80, v3, vm0, $0xb8;
	[tilespmem:$0x18080] =	vst v63  }
0xb5: {  	_ =	swait.ge [sflag:s11], $0x18000  }
0xb6: {  	[sflag:s11] =	ssyncset.done $0x0  }
0xb7: {  	s12 =	rddreg [dreg:$0xd];
	[sflag:s11] =	ssyncadd.s32 $0xFFFE8000  }
0xb8: {  	[hbm4b:s12+s3] =	stream.linear.scatter [tilespmem:s9], [sflag:$0x2], $0x18000, $0x38;
	[tilespmem:$0x18080] =	vst v63  }
0xb9: {  	_ =	swait.ge [sflag:s8], $0x18000  }
0xba: {  	[sflag:s8] =	ssyncset.done $0x0  }
0xbb: {  	s12 =	rddreg [dreg:$0x5];
	[sflag:s8] =	ssyncadd.s32 $0xFFFE8000  }
0xbc: {  	[hbm4b:s12+s3] =	stream.linear.scatter [tilespmem:s9], [sflag:$0x2], $0x18000, $0x38;
	[tilespmem:$0x18080] =	vst v63  }
0xbd: {  	_ =	swait.ge [sflag:s8], $0x18000  }
0xbe: {  	[sflag:s8] =	ssyncset.done $0x0  }
0xbf: {  	s12 =	rddreg [dreg:$0x6];
	[sflag:s8] =	ssyncadd.s32 $0xFFFE8000  }
0xc0: {  	[hbm4b:s12+s3] =	stream.linear.scatter [tilespmem:s9], [sflag:$0x2], $0x18000, $0x38;
	[tilespmem:$0x18080] =	vst v63  }
0xc1: {  	_ =	swait.ge [sflag:s8], $0x18000  }
0xc2: {  	[sflag:s8] =	ssyncset.done $0x0  }
0xc3: {  	s12 =	rddreg [dreg:$0x7];
	[sflag:s8] =	ssyncadd.s32 $0xFFFE8000  }
0xc4: {  	[hbm4b:s12+s3] =	stream.linear.scatter [tilespmem:s9], [sflag:$0x2], $0x18000, $0x38;
	[tilespmem:$0x18080] =	vst v63  }
0xc5: {  	_ =	swait.ge [sflag:s8], $0x18000  }
0xc6: {  	[sflag:s8] =	ssyncset.done $0x0  }
0xc7: {  	s12 =	rddreg [dreg:$0x8];
	[sflag:s8] =	ssyncadd.s32 $0xFFFE8000  }
0xc8: {  	[tilespmem:s3], [sflag:$0x2] =	stream.linear.gather [hbm4b:s12+s3], $0x80, $0x38;
	[tilespmem:$0x18080] =	vst v63  }
0xc9: {  	_ =	swait.ge [sflag:s8], $0x80  }
0xca: {  	[sflag:s8] =	ssyncset.done $0x0  }
0xcb: {  	[sflag:s8] =	ssyncadd.s32 $0xFFFFFF80  }
0xcc: {  	v3 =	vld [tilespmem:$0x0];
	_ =	sdelay $0x4  }
0xcd: {  	v56 =	vshrl.u32 v3, $0x3  }
0xce: {  	v4 =	vmul.u32 $0x30, v56  }
0xcf: {  	v3 =	vand.u32 $0x7, v3  }
0xd0: {  	v3 =	vor.u32 v3, v4  }
0xd1: {  	v4 =	vperm.xlane v3, v0;
	_ =	sdelay $0x1  }
0xd2: {  	v4 =	vadd.s32 v1, v4;
	_ =	sdelay $0x3  }
0xd3: {  	v3 =	vperm.xlane v3, v2  }
0xd4: {  	[tilespmem:s9], [sflag:$0x1] =	stream.indirect_vreg.gather [hbm4b:s1+s3], $0x80, v4, vm0, $0xb8;
	[tilespmem:$0x18080] =	vst v63  }
0xd5: {  	v3 =	vadd.s32 v1, v3  }
0xd6: {  	[tilespmem:s13], [sflag:$0x1] =	stream.indirect_vreg.gather [hbm4b:s5+s3], $0x80, v4, vm0, $0xb8;
	[tilespmem:$0x18080] =	vst v63  }
0xd7: {  	_ = 	snop  }
0xd8: {  	[tilespmem:s14], [sflag:$0x1] =	stream.indirect_vreg.gather [hbm4b:s6+s3], $0x80, v4, vm0, $0xb8;
	[tilespmem:$0x18080] =	vst v63  }
0xd9: {  	_ = 	snop  }
0xda: {  	[tilespmem:s15], [sflag:$0x1] =	stream.indirect_vreg.gather [hbm4b:s1+s3], $0x80, v3, vm0, $0xb8;
	[tilespmem:$0x18080] =	vst v63  }
0xdb: {  	_ = 	snop  }
0xdc: {  	[tilespmem:s16], [sflag:$0x1] =	stream.indirect_vreg.gather [hbm4b:s5+s3], $0x80, v3, vm0, $0xb8;
	[tilespmem:$0x18080] =	vst v63  }
0xdd: {  	_ = 	snop  }
0xde: {  	[tilespmem:s17], [sflag:$0x1] =	stream.indirect_vreg.gather [hbm4b:s6+s3], $0x80, v3, vm0, $0xb8;
	[tilespmem:$0x18080] =	vst v63  }
0xdf: {  	v3 =	vld [tilespmem:$0x10];
	_ =	sdelay $0x4  }
0xe0: {  	v57 =	vshrl.u32 v3, $0x3  }
0xe1: {  	v4 =	vmul.u32 $0x30, v57  }
0xe2: {  	v3 =	vand.u32 $0x7, v3  }
0xe3: {  	v3 =	vor.u32 v3, v4  }
0xe4: {  	v4 =	vperm.xlane v3, v0;
	_ =	sdelay $0x1  }
0xe5: {  	v4 =	vadd.s32 v1, v4;
	_ =	sdelay $0x3  }
0xe6: {  	v3 =	vperm.xlane v3, v2  }
0xe7: {  	[tilespmem:s18], [sflag:$0x1] =	stream.indirect_vreg.gather [hbm4b:s1+s3], $0x80, v4, vm0, $0xb8;
	[tilespmem:$0x18080] =	vst v63  }
0xe8: {  	v3 =	vadd.s32 v1, v3  }
0xe9: {  	[tilespmem:s19], [sflag:$0x1] =	stream.indirect_vreg.gather [hbm4b:s5+s3], $0x80, v4, vm0, $0xb8;
	[tilespmem:$0x18080] =	vst v63  }
0xea: {  	_ = 	snop  }
0xeb: {  	[tilespmem:s20], [sflag:$0x1] =	stream.indirect_vreg.gather [hbm4b:s6+s3], $0x80, v4, vm0, $0xb8;
	[tilespmem:$0x18080] =	vst v63  }
0xec: {  	_ = 	snop  }
0xed: {  	[tilespmem:s21], [sflag:$0x1] =	stream.indirect_vreg.gather [hbm4b:s1+s3], $0x80, v3, vm0, $0xb8;
	[tilespmem:$0x18080] =	vst v63  }
0xee: {  	_ = 	snop  }
0xef: {  	[tilespmem:s22], [sflag:$0x1] =	stream.indirect_vreg.gather [hbm4b:s5+s3], $0x80, v3, vm0, $0xb8;
	[tilespmem:$0x18080] =	vst v63  }
0xf0: {  	_ = 	snop  }
0xf1: {  	[tilespmem:s23], [sflag:$0x1] =	stream.indirect_vreg.gather [hbm4b:s6+s3], $0x80, v3, vm0, $0xb8;
	[tilespmem:$0x18080] =	vst v63  }
0xf2: {  	v3 =	vld [tilespmem:$0x20];
	_ =	sdelay $0x4  }
0xf3: {  	v58 =	vshrl.u32 v3, $0x3  }
0xf4: {  	v4 =	vmul.u32 $0x30, v58  }
0xf5: {  	v3 =	vand.u32 $0x7, v3  }
0xf6: {  	v3 =	vor.u32 v3, v4  }
0xf7: {  	v4 =	vperm.xlane v3, v0;
	_ =	sdelay $0x1  }
0xf8: {  	v4 =	vadd.s32 v1, v4;
	_ =	sdelay $0x3  }
0xf9: {  	v3 =	vperm.xlane v3, v2  }
0xfa: {  	[tilespmem:s24], [sflag:$0x1] =	stream.indirect_vreg.gather [hbm4b:s1+s3], $0x80, v4, vm0, $0xb8;
	[tilespmem:$0x18080] =	vst v63  }
0xfb: {  	v3 =	vadd.s32 v1, v3  }
0xfc: {  	[tilespmem:s25], [sflag:$0x1] =	stream.indirect_vreg.gather [hbm4b:s5+s3], $0x80, v4, vm0, $0xb8;
	[tilespmem:$0x18080] =	vst v63  }
0xfd: {  	_ = 	snop  }
0xfe: {  	[tilespmem:s4], [sflag:$0x1] =	stream.indirect_vreg.gather [hbm4b:s6+s3], $0x80, v4, vm0, $0xb8;
	[tilespmem:$0x18080] =	vst v63  }
0xff: {  	_ = 	snop  }
0x100: {  	[tilespmem:s26], [sflag:$0x1] =	stream.indirect_vreg.gather [hbm4b:s1+s3], $0x80, v3, vm0, $0xb8;
	[tilespmem:$0x18080] =	vst v63  }
0x101: {  	_ = 	snop  }
0x102: {  	[tilespmem:s28], [sflag:$0x1] =	stream.indirect_vreg.gather [hbm4b:s5+s3], $0x80, v3, vm0, $0xb8;
	[tilespmem:$0x18080] =	vst v63  }
0x103: {  	_ = 	snop  }
0x104: {  	[tilespmem:s29], [sflag:$0x1] =	stream.indirect_vreg.gather [hbm4b:s6+s3], $0x80, v3, vm0, $0xb8;
	[tilespmem:$0x18080] =	vst v63  }
0x105: {  	v3 =	vld [tilespmem:$0x30];
	_ =	sdelay $0x4  }
0x106: {  	v59 =	vshrl.u32 v3, $0x3  }
0x107: {  	v4 =	vmul.u32 $0x30, v59  }
0x108: {  	v3 =	vand.u32 $0x7, v3  }
0x109: {  	v3 =	vor.u32 v3, v4  }
0x10a: {  	v4 =	vperm.xlane v3, v0;
	_ =	sdelay $0x1  }
0x10b: {  	v4 =	vadd.s32 v1, v4;
	_ =	sdelay $0x3  }
0x10c: {  	v3 =	vperm.xlane v3, v2  }
0x10d: {  	[tilespmem:s30], [sflag:$0x1] =	stream.indirect_vreg.gather [hbm4b:s1+s3], $0x80, v4, vm0, $0xb8;
	[tilespmem:$0x18080] =	vst v63  }
0x10e: {  	v3 =	vadd.s32 v1, v3  }
0x10f: {  	[tilespmem:s31], [sflag:$0x1] =	stream.indirect_vreg.gather [hbm4b:s5+s3], $0x80, v4, vm0, $0xb8;
	[tilespmem:$0x18080] =	vst v63  }
0x110: {  	_ = 	snop  }
0x111: {  	[tilespmem:s2], [sflag:$0x1] =	stream.indirect_vreg.gather [hbm4b:s6+s3], $0x80, v4, vm0, $0xb8;
	[tilespmem:$0x18080] =	vst v63  }
0x112: {  	_ = 	snop  }
0x113: {  	[tilespmem:s0], [sflag:$0x1] =	stream.indirect_vreg.gather [hbm4b:s1+s3], $0x80, v3, vm0, $0xb8;
	[tilespmem:$0x18080] =	vst v63  }
0x114: {  	_ = 	snop  }
0x115: {  	[tilespmem:s10], [sflag:$0x1] =	stream.indirect_vreg.gather [hbm4b:s5+s3], $0x80, v3, vm0, $0xb8;
	[tilespmem:$0x18080] =	vst v63  }
0x116: {  	s12 =	simm.s32 $0xB880  }
0x117: {  	[tilespmem:s12], [sflag:$0x1] =	stream.indirect_vreg.gather [hbm4b:s6+s3], $0x80, v3, vm0, $0xb8;
	[tilespmem:$0x18080] =	vst v63  }
0x118: {  	v3 =	vld [tilespmem:$0x40];
	_ =	sdelay $0x4  }
0x119: {  	v60 =	vshrl.u32 v3, $0x3  }
0x11a: {  	v4 =	vmul.u32 $0x30, v60  }
0x11b: {  	v3 =	vand.u32 $0x7, v3  }
0x11c: {  	v3 =	vor.u32 v3, v4  }
0x11d: {  	v4 =	vperm.xlane v3, v0;
	_ =	sdelay $0x1  }
0x11e: {  	v4 =	vadd.s32 v1, v4;
	_ =	sdelay $0x3  }
0x11f: {  	s12 =	simm.s32 $0xC080;
	v3 =	vperm.xlane v3, v2  }
0x120: {  	[tilespmem:s12], [sflag:$0x1] =	stream.indirect_vreg.gather [hbm4b:s1+s3], $0x80, v4, vm0, $0xb8;
	[tilespmem:$0x18080] =	vst v63  }
0x121: {  	v3 =	vadd.s32 v1, v3;
	s12 =	simm.s32 $0xC880  }
0x122: {  	[tilespmem:s12], [sflag:$0x1] =	stream.indirect_vreg.gather [hbm4b:s5+s3], $0x80, v4, vm0, $0xb8;
	[tilespmem:$0x18080] =	vst v63  }
0x123: {  	s12 =	simm.s32 $0xD080  }
0x124: {  	[tilespmem:s12], [sflag:$0x1] =	stream.indirect_vreg.gather [hbm4b:s6+s3], $0x80, v4, vm0, $0xb8;
	[tilespmem:$0x18080] =	vst v63  }
0x125: {  	s12 =	simm.s32 $0xD880  }
0x126: {  	[tilespmem:s12], [sflag:$0x1] =	stream.indirect_vreg.gather [hbm4b:s1+s3], $0x80, v3, vm0, $0xb8;
	[tilespmem:$0x18080] =	vst v63  }
0x127: {  	s12 =	simm.s32 $0xE080  }
0x128: {  	[tilespmem:s12], [sflag:$0x1] =	stream.indirect_vreg.gather [hbm4b:s5+s3], $0x80, v3, vm0, $0xb8;
	[tilespmem:$0x18080] =	vst v63  }
0x129: {  	s12 =	simm.s32 $0xE880  }
0x12a: {  	[tilespmem:s12], [sflag:$0x1] =	stream.indirect_vreg.gather [hbm4b:s6+s3], $0x80, v3, vm0, $0xb8;
	[tilespmem:$0x18080] =	vst v63  }
0x12b: {  	v3 =	vld [tilespmem:$0x50];
	_ =	sdelay $0x4  }
0x12c: {  	v61 =	vshrl.u32 v3, $0x3  }
0x12d: {  	v4 =	vmul.u32 $0x30, v61  }
0x12e: {  	v3 =	vand.u32 $0x7, v3  }
0x12f: {  	v3 =	vor.u32 v3, v4  }
0x130: {  	v4 =	vperm.xlane v3, v0;
	_ =	sdelay $0x1  }
0x131: {  	v4 =	vadd.s32 v1, v4;
	_ =	sdelay $0x3  }
0x132: {  	s12 =	simm.s32 $0xF080;
	v3 =	vperm.xlane v3, v2  }
0x133: {  	[tilespmem:s12], [sflag:$0x1] =	stream.indirect_vreg.gather [hbm4b:s1+s3], $0x80, v4, vm0, $0xb8;
	[tilespmem:$0x18080] =	vst v63  }
0x134: {  	v3 =	vadd.s32 v1, v3;
	s12 =	simm.s32 $0xF880  }
0x135: {  	[tilespmem:s12], [sflag:$0x1] =	stream.indirect_vreg.gather [hbm4b:s5+s3], $0x80, v4, vm0, $0xb8;
	[tilespmem:$0x18080] =	vst v63  }
0x136: {  	s12 =	simm.s32 $0x10080  }
0x137: {  	[tilespmem:s12], [sflag:$0x1] =	stream.indirect_vreg.gather [hbm4b:s6+s3], $0x80, v4, vm0, $0xb8;
	[tilespmem:$0x18080] =	vst v63  }
0x138: {  	s12 =	simm.s32 $0x10880  }
0x139: {  	[tilespmem:s12], [sflag:$0x1] =	stream.indirect_vreg.gather [hbm4b:s1+s3], $0x80, v3, vm0, $0xb8;
	[tilespmem:$0x18080] =	vst v63  }
0x13a: {  	s12 =	simm.s32 $0x11080  }
0x13b: {  	[tilespmem:s12], [sflag:$0x1] =	stream.indirect_vreg.gather [hbm4b:s5+s3], $0x80, v3, vm0, $0xb8;
	[tilespmem:$0x18080] =	vst v63  }
0x13c: {  	s12 =	simm.s32 $0x11880  }
0x13d: {  	[tilespmem:s12], [sflag:$0x1] =	stream.indirect_vreg.gather [hbm4b:s6+s3], $0x80, v3, vm0, $0xb8;
	[tilespmem:$0x18080] =	vst v63  }
0x13e: {  	v3 =	vld [tilespmem:$0x60];
	_ =	sdelay $0x4  }
0x13f: {  	v62 =	vshrl.u32 v3, $0x3  }
0x140: {  	v4 =	vmul.u32 $0x30, v62  }
0x141: {  	v3 =	vand.u32 $0x7, v3  }
0x142: {  	v3 =	vor.u32 v3, v4  }
0x143: {  	v4 =	vperm.xlane v3, v0;
	_ =	sdelay $0x1  }
0x144: {  	v4 =	vadd.s32 v1, v4;
	_ =	sdelay $0x3  }
0x145: {  	s12 =	simm.s32 $0x12080;
	v3 =	vperm.xlane v3, v2  }
0x146: {  	[tilespmem:s12], [sflag:$0x1] =	stream.indirect_vreg.gather [hbm4b:s1+s3], $0x80, v4, vm0, $0xb8;
	[tilespmem:$0x18080] =	vst v63  }
0x147: {  	v3 =	vadd.s32 v1, v3;
	s12 =	simm.s32 $0x12880  }
0x148: {  	[tilespmem:s12], [sflag:$0x1] =	stream.indirect_vreg.gather [hbm4b:s5+s3], $0x80, v4, vm0, $0xb8;
	[tilespmem:$0x18080] =	vst v63  }
0x149: {  	s12 =	simm.s32 $0x13080  }
0x14a: {  	[tilespmem:s12], [sflag:$0x1] =	stream.indirect_vreg.gather [hbm4b:s6+s3], $0x80, v4, vm0, $0xb8;
	[tilespmem:$0x18080] =	vst v63  }
0x14b: {  	s12 =	simm.s32 $0x13880  }
0x14c: {  	[tilespmem:s12], [sflag:$0x1] =	stream.indirect_vreg.gather [hbm4b:s1+s3], $0x80, v3, vm0, $0xb8;
	[tilespmem:$0x18080] =	vst v63  }
0x14d: {  	s12 =	simm.s32 $0x14080  }
0x14e: {  	[tilespmem:s12], [sflag:$0x1] =	stream.indirect_vreg.gather [hbm4b:s5+s3], $0x80, v3, vm0, $0xb8;
	[tilespmem:$0x18080] =	vst v63  }
0x14f: {  	s12 =	simm.s32 $0x14880  }
0x150: {  	[tilespmem:s12], [sflag:$0x1] =	stream.indirect_vreg.gather [hbm4b:s6+s3], $0x80, v3, vm0, $0xb8;
	[tilespmem:$0x18080] =	vst v63  }
0x151: {  	v3 =	vld [tilespmem:$0x70];
	_ =	sdelay $0x4  }
0x152: {  	v63 =	vshrl.u32 v3, $0x3  }
0x153: {  	v4 =	vmul.u32 $0x30, v63  }
0x154: {  	v3 =	vand.u32 $0x7, v3  }
0x155: {  	v3 =	vor.u32 v3, v4  }
0x156: {  	v4 =	vperm.xlane v3, v0;
	_ =	sdelay $0x1  }
0x157: {  	v4 =	vadd.s32 v1, v4;
	_ =	sdelay $0x3  }
0x158: {  	s12 =	simm.s32 $0x15080;
	v3 =	vperm.xlane v3, v2  }
0x159: {  	[tilespmem:s12], [sflag:$0x1] =	stream.indirect_vreg.gather [hbm4b:s1+s3], $0x80, v4, vm0, $0xb8;
	[tilespmem:$0x18080] =	vst v63  }
0x15a: {  	v3 =	vadd.s32 v1, v3;
	s12 =	simm.s32 $0x15880  }
0x15b: {  	[tilespmem:s12], [sflag:$0x1] =	stream.indirect_vreg.gather [hbm4b:s5+s3], $0x80, v4, vm0, $0xb8;
	[tilespmem:$0x18080] =	vst v63  }
0x15c: {  	s12 =	simm.s32 $0x16080  }
0x15d: {  	[tilespmem:s12], [sflag:$0x1] =	stream.indirect_vreg.gather [hbm4b:s6+s3], $0x80, v4, vm0, $0xb8;
	[tilespmem:$0x18080] =	vst v63  }
0x15e: {  	s12 =	simm.s32 $0x16880  }
0x15f: {  	[tilespmem:s12], [sflag:$0x1] =	stream.indirect_vreg.gather [hbm4b:s1+s3], $0x80, v3, vm0, $0xb8;
	[tilespmem:$0x18080] =	vst v63  }
0x160: {  	s12 =	simm.s32 $0x17080  }
0x161: {  	[tilespmem:s12], [sflag:$0x1] =	stream.indirect_vreg.gather [hbm4b:s5+s3], $0x80, v3, vm0, $0xb8;
	[tilespmem:$0x18080] =	vst v63  }
0x162: {  	s12 =	simm.s32 $0x17880  }
0x163: {  	[tilespmem:s12], [sflag:$0x1] =	stream.indirect_vreg.gather [hbm4b:s6+s3], $0x80, v3, vm0, $0xb8;
	[tilespmem:$0x18080] =	vst v63  }
0x164: {  	_ =	swait.ge [sflag:s11], $0x18000  }
0x165: {  	[sflag:s11] =	ssyncset.done $0x0  }
0x166: {  	s0 =	rddreg [dreg:$0x9];
	[sflag:s11] =	ssyncadd.s32 $0xFFFE8000  }
0x167: {  	[hbm4b:s0+s3] =	stream.linear.scatter [tilespmem:s9], [sflag:$0x2], $0x18000, $0x38;
	[tilespmem:$0x18080] =	vst v63  }
0x168: {  	_ =	swait.ge [sflag:s8], $0x18000  }
0x169: {  	[sflag:s8] =	ssyncset.done $0x0  }
0x16a: {  	s0 =	rddreg [dreg:$0xa];
	[sflag:s8] =	ssyncadd.s32 $0xFFFE8000  }
0x16b: {  	[hbm4b:s0+s3] =	stream.linear.scatter [tilespmem:s9], [sflag:$0x2], $0x18000, $0x38;
	[tilespmem:$0x18080] =	vst v63  }
0x16c: {  	_ =	swait.ge [sflag:s8], $0x18000  }
0x16d: {  	[sflag:s8] =	ssyncset.done $0x0  }
0x16e: {  	s0 =	rddreg [dreg:$0xb];
	[sflag:s8] =	ssyncadd.s32 $0xFFFE8000  }
0x16f: {  	[hbm4b:s0+s3] =	stream.linear.scatter [tilespmem:s9], [sflag:$0x2], $0x18000, $0x38;
	[tilespmem:$0x18080] =	vst v63  }
0x170: {  	_ =	swait.ge [sflag:s8], $0x18000  }
0x171: {  	p0 =	sne.s32 s7, $0x1;
	[sflag:s8] =	ssyncset.done $0x0  }
.Ltmp0:
0x172: {  	s0 =	rddreg [dreg:$0xc];
	[sflag:s8] =	ssyncadd.s32 $0xFFFE8000;
	(pc) =	sbr.rel @p0 .LBB2_1-.Ltmp0, $4  }
0x173: {  	[hbm4b:s0+s3] =	stream.linear.scatter [tilespmem:s9], [sflag:$0x2], $0x18000, $0x38;
	[tilespmem:$0x18080] =	vst v63  }
0x174: {  	_ =	swait.ge [sflag:s8], $0x18000  }
0x175: {  	[sflag:s8] =	ssyncset.done $0x0  }
0x176: {  	s7 =	sadd.s32 $0xFFFFFFFF, s7;
	[sflag:s8] =	ssyncadd.s32 $0xFFFE8000  }
0x177: {  	_ =	sfence.sel $0x180000  }
0x178: {  	[bflag:$0x0] =	sbarrier.arrive $0xFFFF  }
0x179: {  	_ =	strace $0x90000047  }
0x17a: {  	s0 =	stileid.u32;
	[bflag:$0x2] =	sbarrier.arrive $0xFFFF  }
0x17b: {  	p0 =	sne.s32 s0, $0x0;
	s0 =	rddreg [dreg:$0x3]  }
0x17c: {  	s0 =	sadd.s32 @!p0 $0x100000, s0  }
0x17d: {  	[sflag:s0] =	ssyncadd.tile.s32 @!p0 $0x1;
	_ =	shalt  }
.Lfunc_end2:
_tile_overlayer_lowered:
.L_overlay_start_2:
0x17e: {  	(tag) =	ssettag $0x2  }
0x17f: {  	s0 =	rddreg [dreg:$0x0];
	s2 =	stileid.u32  }
0x180: {  	s1 =	rddreg [dreg:$0x1];
	p0 =	sne.s32 s2, $0x0  }
0x181: {  	s3 =	rddreg [dreg:$0x2];
	[bflag:$0x3] =	sbarrier.arrive $0xFFFF;
	s2 =	simm.s32 @!p0 $0x1C02  }
0x182: {  	[timem:s3], [sflag:s2] =	dma.local @!p0 [hbm:s0], s1  }
0x183: {  	s0 =	simm.s32 @!p0 $0x2  }
0x184: {  	_ =	swait.ge @!p0 [sflag:s0], s1  }
0x185: {  	s1 =	ssub.s32 @!p0 $0x0, s1;
	[sflag:s0] =	ssyncset.done @!p0 $0x0  }
0x186: {  	[sflag:s0] =	ssyncadd.s32 @!p0 s1  }
0x187: {  	[bflag:$0x3] =	sbarrier.arrive $0xFFFF  }
0x188: {  	_ =	shalt  }

</sc_bundles>
